<compile_context>
chip_gen: v7x
topology: tpu7x:2x2x1
jax: 0.10.2.dev20260603
libtpu: 0.0.44.dev20260713+nightly
codegen_flags: <defaults>
</compile_context>

<pallas_src>
import functools

import jax
import jax.numpy as jnp
from jax.experimental import pallas as pl
from jax.experimental.pallas import tpu as pltpu
from jax.experimental.pallas import tpu_sc as plsc

N_RETINA = 4096
N_LGN = 1024
MU_WTS = 2.5
ETA = 0.1

_R_BLK = 512
_L_BLK = 256
_N_STEP1 = N_RETINA // _R_BLK
_N_STEP2 = N_LGN // _L_BLK

_NC, _NS, _LANES = 2, 16, 16
_UNROLL = 4
_N_RCHUNK = N_RETINA // (_LANES * _UNROLL)


def _mega(f_ref, nw_ref, nthr_ref, lw_ref, lthr_ref,
          fir_out_ref, act_ref, w_out_ref, thr_out_ref, sf_ref, si_ref,
          fir_ref, sem):
    i = pl.program_id(0)

    @pl.when(i < _N_STEP1)
    def _stage1():
        xr = jax.lax.dot_general(
            f_ref[...], nw_ref[...], (((1,), (1,)), ((), ())),
            precision=jax.lax.Precision.DEFAULT,
            preferred_element_type=jnp.float32)
        bits = (xr > nthr_ref[...]).astype(jnp.float32)
        fir_out_ref[...] = bits
        fir_ref[:, pl.ds(i * _R_BLK, _R_BLK)] = bits

    @pl.when((i >= _N_STEP1) & (i < _N_STEP1 + _N_STEP2))
    def _stage2():
        j = i - _N_STEP1
        cp = pltpu.make_async_copy(
            lw_ref, w_out_ref.at[pl.ds(j * _L_BLK, _L_BLK)], sem)
        cp.start()
        ar = jax.lax.dot_general(
            fir_ref[...], lw_ref[...], (((1,), (1,)), ((), ())),
            precision=jax.lax.Precision.DEFAULT,
            preferred_element_type=jnp.float32)
        act_ref[:, pl.ds(j * _L_BLK, _L_BLK)] = jnp.maximum(ar, 0.0)
        cp.wait()

    @pl.when(i == _N_STEP1 + _N_STEP2)
    def _stage3():
        act = jnp.maximum(act_ref[...] - lthr_ref[...], 0.0)
        max_val = jnp.max(act)
        idx = jax.lax.broadcasted_iota(jnp.int32, (1, N_LGN), 1)
        max_idx = jnp.min(jnp.where(act == max_val, idx, jnp.int32(N_LGN)))
        thr_out_ref[...] = lthr_ref[...] + jnp.where(
            idx == max_idx, 0.005 * max_val, 0.0)
        sf_ref[...] = jnp.full((1, 128), max_val, jnp.float32)
        si_ref[...] = jnp.full((1, 128), max_idx, jnp.int32)


def _sc_scatter(fir_hbm, scalf_hbm, scali_hbm, w_ref,
                fir_v, row_v, sf_v, si_v):
    c = jax.lax.axis_index("c")
    s = jax.lax.axis_index("s")
    wid = s * _NC + c

    @pl.when(wid == 0)
    def _tile0():
        pltpu.sync_copy(scalf_hbm, sf_v)
        pltpu.sync_copy(scali_hbm, si_v)
        max_val = jnp.max(sf_v[pl.ds(0, _LANES)])
        max_idx = jnp.max(si_v[pl.ds(0, _LANES)])

        @pl.when(max_val > 0.0)
        def _update():
            pltpu.sync_copy(fir_hbm, fir_v)
            pltpu.sync_copy(w_ref.at[max_idx], row_v)
            scale = ETA * max_val

            def _rbody(k, ssum):
                acc = ssum
                for u in range(_UNROLL):
                    off = (k * _UNROLL + u) * _LANES
                    r = (row_v[pl.ds(off, _LANES)]
                         + scale * fir_v[pl.ds(off, _LANES)])
                    row_v[pl.ds(off, _LANES)] = r
                    acc = acc + jnp.sum(r)
                return acc

            total = jax.lax.fori_loop(0, _N_RCHUNK, _rbody, jnp.float32(0.0))
            mean_v = (total * (1.0 / N_RETINA)) * jnp.ones((_LANES,),
                                                           jnp.float32)

            def _nbody(k, carry):
                for u in range(_UNROLL):
                    off = (k * _UNROLL + u) * _LANES
                    row_v[pl.ds(off, _LANES)] = (
                        row_v[pl.ds(off, _LANES)] / mean_v * MU_WTS)
                return carry

            jax.lax.fori_loop(0, _N_RCHUNK, _nbody, jnp.int32(0))
            pltpu.sync_copy(row_v, w_ref.at[max_idx])


def kernel(is_firing, node_weights, node_threshold, lgn_weights, lgn_threshold):
    f0 = is_firing.reshape(1, N_RETINA)
    nthr = node_threshold.reshape(1, N_RETINA)
    lthr = lgn_threshold.reshape(1, N_LGN)
    n_steps = _N_STEP1 + _N_STEP2 + 1

    firing, act_raw, w_copy, new_thr, scal_f, scal_i = pl.pallas_call(
        _mega,
        grid=(n_steps,),
        in_specs=[
            pl.BlockSpec((1, N_RETINA), lambda i: (0, 0)),
            pl.BlockSpec((_R_BLK, N_RETINA),
                         lambda i: (jnp.minimum(i, _N_STEP1 - 1), 0)),
            pl.BlockSpec((1, _R_BLK),
                         lambda i: (0, jnp.minimum(i, _N_STEP1 - 1))),
            pl.BlockSpec((_L_BLK, N_RETINA),
                         lambda i: (jnp.clip(i - _N_STEP1, 0, _N_STEP2 - 1), 0)),
            pl.BlockSpec((1, N_LGN), lambda i: (0, 0)),
        ],
        out_specs=[
            pl.BlockSpec((1, _R_BLK),
                         lambda i: (0, jnp.minimum(i, _N_STEP1 - 1))),
            pl.BlockSpec((1, N_LGN), lambda i: (0, 0)),
            pl.BlockSpec(memory_space=pl.ANY),
            pl.BlockSpec((1, N_LGN), lambda i: (0, 0)),
            pl.BlockSpec((1, 128), lambda i: (0, 0)),
            pl.BlockSpec((1, 128), lambda i: (0, 0)),
        ],
        out_shape=[
            jax.ShapeDtypeStruct((1, N_RETINA), jnp.float32),
            jax.ShapeDtypeStruct((1, N_LGN), jnp.float32),
            jax.ShapeDtypeStruct((N_LGN, N_RETINA), jnp.float32),
            jax.ShapeDtypeStruct((1, N_LGN), jnp.float32),
            jax.ShapeDtypeStruct((1, 128), jnp.float32),
            jax.ShapeDtypeStruct((1, 128), jnp.int32),
        ],
        scratch_shapes=[
            pltpu.VMEM((1, N_RETINA), jnp.float32),
            pltpu.SemaphoreType.DMA,
        ],
    )(f0, node_weights, nthr, lgn_weights, lthr)

    sc_scatter = functools.partial(
        pl.kernel,
        out_type=(),
        mesh=plsc.VectorSubcoreMesh(
            core_axis_name="c", subcore_axis_name="s", num_cores=1),
        compiler_params=pltpu.CompilerParams(
            needs_layout_passes=False, skip_device_barrier=True),
        scratch_types=[
            pltpu.VMEM((N_RETINA,), jnp.float32),
            pltpu.VMEM((N_RETINA,), jnp.float32),
            pltpu.VMEM((128,), jnp.float32),
            pltpu.VMEM((128,), jnp.int32),
        ],
    )(_sc_scatter)

    w_ref = jax.new_ref(w_copy)
    sc_scatter(firing.reshape(N_RETINA), scal_f.reshape(128),
               scal_i.reshape(128), w_ref)
    new_w = jax.freeze(w_ref)

    return (firing.reshape(N_RETINA), act_raw.reshape(N_LGN),
            new_w, new_thr.reshape(N_LGN))

# --- scband reference (transcript-rebuilt; emitter-appended) ---
"""Pipeline reference for scband-lgnlayer-51951924413111 (READ-ONLY COPY).

The authoritative reference and input builder live on the scoring server;
editing this copy changes nothing except your own understanding.
"""

import jax, jax.numpy as jnp
import numpy as np

N_RETINA = 4096
N_LGN = 1024
SQUARE_SIZE = 10.0
NEIGHBOURHOOD = 1.0
MU_WTS = 2.5
SIGMA_WTS = 0.14
ETA = 0.1


def setup_inputs(seed: int = 0) -> dict:
    key = jax.random.key(seed)
    k1, k2, k3, k4, k5 = jax.random.split(key, 5)
    # binary firing input (pixel-sampled in the torch version)
    is_firing = (jax.random.uniform(k1, (N_RETINA,)) > 0.5).astype(jnp.float32)
    # retina topology and distance-based recurrent node weights
    # (Node class approximation: gaussian-of-distance within neighbourhood)
    topology = jax.random.uniform(k2, (N_RETINA, 2)) * SQUARE_SIZE
    diff = topology[:, None, :] - topology[None, :, :]
    dist = jnp.sqrt(jnp.sum(diff ** 2, axis=-1) + 1e-12)
    node_weights = jnp.where(dist <= NEIGHBOURHOOD,
                             jnp.exp(-(dist ** 2) / (2.0 * 0.25)),
                             0.0).astype(jnp.float32)
    node_threshold = 1.0 + 0.2 * jax.random.normal(k3, (N_RETINA,), dtype=jnp.float32)
    # LGN weights, row-normalized to mean mu_wts as in __init__
    lgn_weights = MU_WTS + SIGMA_WTS * jax.random.normal(k4, (N_LGN, N_RETINA), dtype=jnp.float32)
    lgn_weights = lgn_weights / jnp.mean(lgn_weights, axis=1, keepdims=True) * MU_WTS
    lgn_threshold = 70.0 + 2.0 * jax.random.normal(k5, (N_LGN,), dtype=jnp.float32)
    return {
        "is_firing": is_firing,
        "node_weights": node_weights,
        "node_threshold": node_threshold,
        "lgn_weights": lgn_weights,
        "lgn_threshold": lgn_threshold,
    }


def reference(is_firing, node_weights, node_threshold, lgn_weights, lgn_threshold):
    # per-node recurrent drive: node_x[i] = <node_weights[i], is_firing>
    node_x = node_weights @ is_firing
    # node firing update (Node.is_node_firing approximation: threshold crossing)
    new_firing = (node_x > node_threshold).astype(jnp.float32)
    # LGN activation
    lgn_act_raw = lgn_weights @ new_firing
    lgn_act_raw = jnp.maximum(lgn_act_raw, 0.0)
    lgn_act = jnp.maximum(lgn_act_raw - lgn_threshold, 0.0)
    # winner-take-all
    max_val = jnp.max(lgn_act)
    max_idx = jnp.argmax(lgn_act)
    # hebbian update of the winning row (torch loop of 2 x 0.5*eta*act*active)
    row = lgn_weights[max_idx]
    row = row + 2.0 * 0.5 * (ETA * max_val * new_firing)
    new_thr_val = lgn_threshold[max_idx] + 0.005 * max_val
    row = row / jnp.mean(row) * MU_WTS
    do_update = (max_val > 0.0).astype(jnp.float32)
    upd_w = lgn_weights.at[max_idx].set(row)
    upd_t = lgn_threshold.at[max_idx].set(new_thr_val)
    new_lgn_weights = do_update * upd_w + (1.0 - do_update) * lgn_weights
    new_lgn_threshold = do_update * upd_t + (1.0 - do_update) * lgn_threshold
    return new_firing, lgn_act_raw, new_lgn_weights, new_lgn_threshold

if __name__ == "__main__":
    import jax
    _d = setup_inputs()
    print(jax.jit(kernel)(*tuple(_d.values())))

</pallas_src>

<mosaic_0001>
#map = affine_map<(d0, d1) -> (0)>
#map1 = affine_map<(d0, d1) -> (0, 0)>
module attributes {stable_mosaic.version = 14 : i64} {
  func.func @new_body(%arg0: i32, %arg1: i32, %arg2: memref<4096xf32, #tpu.memory_space<hbm>>, %arg3: memref<128xf32, #tpu.memory_space<hbm>>, %arg4: memref<128xi32, #tpu.memory_space<hbm>>, %arg5: memref<1024x4096xf32, #tpu.memory_space<hbm>>, %arg6: memref<1024x4096xf32, #tpu.memory_space<hbm>>, %arg7: memref<4096xf32, #tpu.memory_space<vmem>>, %arg8: memref<4096xf32, #tpu.memory_space<vmem>>, %arg9: memref<128xf32, #tpu.memory_space<vmem>>, %arg10: memref<128xi32, #tpu.memory_space<vmem>>) attributes {dimension_semantics = [#tpu.dimension_semantics<core_parallel>, #tpu.dimension_semantics<subcore_parallel>], iteration_bounds = array<i64: 1, 16>, scalar_prefetch = 0 : i64, scratch_operands = 4 : i64, tpu.core_type = #tpu.core_type<sc_vector_subcore>, window_params = [{transform_indices = #map}, {transform_indices = #map}, {transform_indices = #map}, {transform_indices = #map1}, {transform_indices = #map1}]} {
    %mul3A = arith.constant 2 : i32
    %mul3A_0 = arith.muli %arg1, %mul3A : i32
    %add3A = arith.addi %mul3A_0, %arg0 : i32
    %eq3A = arith.constant 0 : i32
    %eq3A_1 = arith.cmpi eq, %add3A, %eq3A : i32
    %convert_element_type3A = arith.extui %eq3A_1 : i1 to i32
    %cond3A = arith.constant 0 : i32
    %cond3A_2 = arith.cmpi ne, %convert_element_type3A, %cond3A : i32
    scf.if %cond3A_2 {
      "tpu.region"() ({
        %run_scoped3A = tpu.sem_alloc : memref<!tpu.dma_semaphore, #tpu.memory_space<semaphore_mem>>
        tpu.enqueue_dma source(%arg3 : memref<128xf32, #tpu.memory_space<hbm>>) target(%arg9 : memref<128xf32, #tpu.memory_space<vmem>>) target_semaphore(%run_scoped3A : memref<!tpu.dma_semaphore, #tpu.memory_space<semaphore_mem>>)
        tpu.wait_dma2 semaphore(%run_scoped3A : memref<!tpu.dma_semaphore, #tpu.memory_space<semaphore_mem>>) src(%arg3 : memref<128xf32, #tpu.memory_space<hbm>>) dst(%arg9 : memref<128xf32, #tpu.memory_space<vmem>>)
        tpu.yield
      }) : () -> ()
      "tpu.region"() ({
        %run_scoped3A = tpu.sem_alloc : memref<!tpu.dma_semaphore, #tpu.memory_space<semaphore_mem>>
        tpu.enqueue_dma source(%arg4 : memref<128xi32, #tpu.memory_space<hbm>>) target(%arg10 : memref<128xi32, #tpu.memory_space<vmem>>) target_semaphore(%run_scoped3A : memref<!tpu.dma_semaphore, #tpu.memory_space<semaphore_mem>>)
        tpu.wait_dma2 semaphore(%run_scoped3A : memref<!tpu.dma_semaphore, #tpu.memory_space<semaphore_mem>>) src(%arg4 : memref<128xi32, #tpu.memory_space<hbm>>) dst(%arg10 : memref<128xi32, #tpu.memory_space<vmem>>)
        tpu.yield
      }) : () -> ()
      %get3A = arith.constant 0 : index
      %get3A_3 = tpu.vector_load %arg9[%get3A] {strides = array<i32>} : memref<128xf32, #tpu.memory_space<vmem>>, vector<16xf32>,
      %reduce_max3A = arith.constant true
      %reduce_max3A_4 = vector.broadcast %reduce_max3A : i1 to vector<16xi1>
      %reduce_max3A_5 = tpu.scan <max>, %get3A_3 masked %reduce_max3A_4 : vector<16xf32>, vector<16xi1> -> vector<16xf32>
      %reduce_max3A_6 = vector.extract %reduce_max3A_5[15] : f32 from vector<16xf32>
      %get3A_7 = arith.constant 0 : index
      %get3A_8 = tpu.vector_load %arg10[%get3A_7] {strides = array<i32>} : memref<128xi32, #tpu.memory_space<vmem>>, vector<16xi32>,
      %reduce_max3A_9 = arith.constant true
      %reduce_max3A_10 = vector.broadcast %reduce_max3A_9 : i1 to vector<16xi1>
      %reduce_max3A_11 = arith.constant -2147483648 : i32
      %reduce_max3A_12 = vector.broadcast %reduce_max3A_11 : i32 to vector<16xi32>
      %reduce_max3A_13 = arith.xori %get3A_8, %reduce_max3A_12 : vector<16xi32>
      %reduce_max3A_14 = tpu.scan <max>, %reduce_max3A_13 masked %reduce_max3A_10 : vector<16xi32>, vector<16xi1> -> vector<16xi32>
      %reduce_max3A_15 = arith.xori %reduce_max3A_14, %reduce_max3A_12 : vector<16xi32>
      %reduce_max3A_16 = vector.extract %reduce_max3A_15[15] : i32 from vector<16xi32>
      %gt3A = arith.constant 0.000000e+00 : f32
      %gt3A_17 = arith.cmpf ogt, %reduce_max3A_6, %gt3A : f32
      %convert_element_type3A_18 = arith.extui %gt3A_17 : i1 to i32
      %cond3A_19 = arith.constant 0 : i32
      %cond3A_20 = arith.cmpi ne, %convert_element_type3A_18, %cond3A_19 : i32
      scf.if %cond3A_20 {
        "tpu.region"() ({
          %run_scoped3A = tpu.sem_alloc : memref<!tpu.dma_semaphore, #tpu.memory_space<semaphore_mem>>
          tpu.enqueue_dma source(%arg2 : memref<4096xf32, #tpu.memory_space<hbm>>) target(%arg7 : memref<4096xf32, #tpu.memory_space<vmem>>) target_semaphore(%run_scoped3A : memref<!tpu.dma_semaphore, #tpu.memory_space<semaphore_mem>>)
          tpu.wait_dma2 semaphore(%run_scoped3A : memref<!tpu.dma_semaphore, #tpu.memory_space<semaphore_mem>>) src(%arg2 : memref<4096xf32, #tpu.memory_space<hbm>>) dst(%arg7 : memref<4096xf32, #tpu.memory_space<vmem>>)
          tpu.yield
        }) : () -> ()
        "tpu.region"() ({
          %run_scoped3A = tpu.sem_alloc : memref<!tpu.dma_semaphore, #tpu.memory_space<semaphore_mem>>
          %dma_start3A = arith.constant 0 : i32
          %dma_start3A_40 = tpu.memref_slice %arg5[%reduce_max3A_16, %dma_start3A] : memref<1024x4096xf32, #tpu.memory_space<hbm>> -> memref<1x4096xf32, #tpu.memory_space<hbm>>
          %dma_start3A_41 = tpu.memref_squeeze %dma_start3A_40 : memref<1x4096xf32, #tpu.memory_space<hbm>> -> memref<4096xf32, #tpu.memory_space<hbm>>
          %dma_start3A_42 = arith.constant 0 : i32
          %dma_start3A_43 = tpu.memref_slice %arg5[%reduce_max3A_16, %dma_start3A_42] : memref<1024x4096xf32, #tpu.memory_space<hbm>> -> memref<1x4096xf32, #tpu.memory_space<hbm>>
          %dma_start3A_44 = tpu.memref_squeeze %dma_start3A_43 : memref<1x4096xf32, #tpu.memory_space<hbm>> -> memref<4096xf32, #tpu.memory_space<hbm>>
          tpu.enqueue_dma source(%dma_start3A_44 : memref<4096xf32, #tpu.memory_space<hbm>>) target(%arg8 : memref<4096xf32, #tpu.memory_space<vmem>>) target_semaphore(%run_scoped3A : memref<!tpu.dma_semaphore, #tpu.memory_space<semaphore_mem>>)
          %dma_wait3A = arith.constant 0 : i32
          %dma_wait3A_45 = tpu.memref_slice %arg5[%reduce_max3A_16, %dma_wait3A] : memref<1024x4096xf32, #tpu.memory_space<hbm>> -> memref<1x4096xf32, #tpu.memory_space<hbm>>
          %dma_wait3A_46 = tpu.memref_squeeze %dma_wait3A_45 : memref<1x4096xf32, #tpu.memory_space<hbm>> -> memref<4096xf32, #tpu.memory_space<hbm>>
          %dma_wait3A_47 = arith.constant 0 : i32
          %dma_wait3A_48 = tpu.memref_slice %arg5[%reduce_max3A_16, %dma_wait3A_47] : memref<1024x4096xf32, #tpu.memory_space<hbm>> -> memref<1x4096xf32, #tpu.memory_space<hbm>>
          %dma_wait3A_49 = tpu.memref_squeeze %dma_wait3A_48 : memref<1x4096xf32, #tpu.memory_space<hbm>> -> memref<4096xf32, #tpu.memory_space<hbm>>
          tpu.wait_dma2 semaphore(%run_scoped3A : memref<!tpu.dma_semaphore, #tpu.memory_space<semaphore_mem>>) src(%dma_wait3A_49 : memref<4096xf32, #tpu.memory_space<hbm>>) dst(%arg8 : memref<4096xf32, #tpu.memory_space<vmem>>)
          tpu.yield
        }) : () -> ()
        %mul3A_21 = arith.constant 1.000000e-01 : f32
        %mul3A_22 = arith.mulf %mul3A_21, %reduce_max3A_6 : f32
        %scan3A = arith.constant 0.000000e+00 : f32
        %scan3A_23 = arith.constant 0 : i32
        %scan3A_24 = arith.constant 64 : i32
        %scan3A_25 = arith.addi %scan3A_23, %scan3A_24 : i32
        %scan3A_26 = arith.constant 1 : i32
        %scan3A_27 = scf.for %scan3A_40 = %scan3A_23 to %scan3A_25 step %scan3A_26 iter_args(%scan3A_41 = %scan3A) -> (f32)  : i32 {
          %mul3A_42 = arith.constant 4 : i32
          %mul3A_43 = arith.muli %scan3A_40, %mul3A_42 : i32
          %add3A_44 = arith.constant 0 : i32
          %add3A_45 = arith.addi %mul3A_43, %add3A_44 : i32
          %mul3A_46 = arith.constant 16 : i32
          %mul3A_47 = arith.muli %add3A_45, %mul3A_46 : i32
          %get3A_48 = arith.index_cast %mul3A_47 : i32 to index
          %get3A_49 = tpu.vector_load %arg8[%get3A_48] {strides = array<i32>} : memref<4096xf32, #tpu.memory_space<vmem>>, vector<16xf32>,
          %get3A_50 = arith.index_cast %mul3A_47 : i32 to index
          %get3A_51 = tpu.vector_load %arg7[%get3A_50] {strides = array<i32>} : memref<4096xf32, #tpu.memory_space<vmem>>, vector<16xf32>,
          %mul3A_52 = vector.broadcast %mul3A_22 : f32 to vector<16xf32>
          %mul3A_53 = arith.mulf %mul3A_52, %get3A_51 : vector<16xf32>
          %add3A_54 = arith.addf %get3A_49, %mul3A_53 : vector<16xf32>
          %swap3A = arith.index_cast %mul3A_47 : i32 to index
          %swap3A_55 = tpu.vector_load %arg8[%swap3A] {strides = array<i32>} : memref<4096xf32, #tpu.memory_space<vmem>>, vector<16xf32>,
          tpu.vector_store %arg8[%swap3A], %add3A_54 {strides = array<i32>} : memref<4096xf32, #tpu.memory_space<vmem>>, vector<16xf32>,
          %reduce_sum3A = arith.constant true
          %reduce_sum3A_56 = vector.broadcast %reduce_sum3A : i1 to vector<16xi1>
          %reduce_sum3A_57 = tpu.scan <sum>, %add3A_54 masked %reduce_sum3A_56 : vector<16xf32>, vector<16xi1> -> vector<16xf32>
          %reduce_sum3A_58 = vector.extract %reduce_sum3A_57[15] : f32 from vector<16xf32>
          %add3A_59 = arith.addf %scan3A_41, %reduce_sum3A_58 : f32
          %mul3A_60 = arith.constant 4 : i32
          %mul3A_61 = arith.muli %scan3A_40, %mul3A_60 : i32
          %add3A_62 = arith.constant 1 : i32
          %add3A_63 = arith.addi %mul3A_61, %add3A_62 : i32
          %mul3A_64 = arith.constant 16 : i32
          %mul3A_65 = arith.muli %add3A_63, %mul3A_64 : i32
          %get3A_66 = arith.index_cast %mul3A_65 : i32 to index
          %get3A_67 = tpu.vector_load %arg8[%get3A_66] {strides = array<i32>} : memref<4096xf32, #tpu.memory_space<vmem>>, vector<16xf32>,
          %get3A_68 = arith.index_cast %mul3A_65 : i32 to index
          %get3A_69 = tpu.vector_load %arg7[%get3A_68] {strides = array<i32>} : memref<4096xf32, #tpu.memory_space<vmem>>, vector<16xf32>,
          %mul3A_70 = vector.broadcast %mul3A_22 : f32 to vector<16xf32>
          %mul3A_71 = arith.mulf %mul3A_70, %get3A_69 : vector<16xf32>
          %add3A_72 = arith.addf %get3A_67, %mul3A_71 : vector<16xf32>
          %swap3A_73 = arith.index_cast %mul3A_65 : i32 to index
          %swap3A_74 = tpu.vector_load %arg8[%swap3A_73] {strides = array<i32>} : memref<4096xf32, #tpu.memory_space<vmem>>, vector<16xf32>,
          tpu.vector_store %arg8[%swap3A_73], %add3A_72 {strides = array<i32>} : memref<4096xf32, #tpu.memory_space<vmem>>, vector<16xf32>,
          %reduce_sum3A_75 = arith.constant true
          %reduce_sum3A_76 = vector.broadcast %reduce_sum3A_75 : i1 to vector<16xi1>
          %reduce_sum3A_77 = tpu.scan <sum>, %add3A_72 masked %reduce_sum3A_76 : vector<16xf32>, vector<16xi1> -> vector<16xf32>
          %reduce_sum3A_78 = vector.extract %reduce_sum3A_77[15] : f32 from vector<16xf32>
          %add3A_79 = arith.addf %add3A_59, %reduce_sum3A_78 : f32
          %mul3A_80 = arith.constant 4 : i32
          %mul3A_81 = arith.muli %scan3A_40, %mul3A_80 : i32
          %add3A_82 = arith.constant 2 : i32
          %add3A_83 = arith.addi %mul3A_81, %add3A_82 : i32
          %mul3A_84 = arith.constant 16 : i32
          %mul3A_85 = arith.muli %add3A_83, %mul3A_84 : i32
          %get3A_86 = arith.index_cast %mul3A_85 : i32 to index
          %get3A_87 = tpu.vector_load %arg8[%get3A_86] {strides = array<i32>} : memref<4096xf32, #tpu.memory_space<vmem>>, vector<16xf32>,
          %get3A_88 = arith.index_cast %mul3A_85 : i32 to index
          %get3A_89 = tpu.vector_load %arg7[%get3A_88] {strides = array<i32>} : memref<4096xf32, #tpu.memory_space<vmem>>, vector<16xf32>,
          %mul3A_90 = vector.broadcast %mul3A_22 : f32 to vector<16xf32>
          %mul3A_91 = arith.mulf %mul3A_90, %get3A_89 : vector<16xf32>
          %add3A_92 = arith.addf %get3A_87, %mul3A_91 : vector<16xf32>
          %swap3A_93 = arith.index_cast %mul3A_85 : i32 to index
          %swap3A_94 = tpu.vector_load %arg8[%swap3A_93] {strides = array<i32>} : memref<4096xf32, #tpu.memory_space<vmem>>, vector<16xf32>,
          tpu.vector_store %arg8[%swap3A_93], %add3A_92 {strides = array<i32>} : memref<4096xf32, #tpu.memory_space<vmem>>, vector<16xf32>,
          %reduce_sum3A_95 = arith.constant true
          %reduce_sum3A_96 = vector.broadcast %reduce_sum3A_95 : i1 to vector<16xi1>
          %reduce_sum3A_97 = tpu.scan <sum>, %add3A_92 masked %reduce_sum3A_96 : vector<16xf32>, vector<16xi1> -> vector<16xf32>
          %reduce_sum3A_98 = vector.extract %reduce_sum3A_97[15] : f32 from vector<16xf32>
          %add3A_99 = arith.addf %add3A_79, %reduce_sum3A_98 : f32
          %mul3A_100 = arith.constant 4 : i32
          %mul3A_101 = arith.muli %scan3A_40, %mul3A_100 : i32
          %add3A_102 = arith.constant 3 : i32
          %add3A_103 = arith.addi %mul3A_101, %add3A_102 : i32
          %mul3A_104 = arith.constant 16 : i32
          %mul3A_105 = arith.muli %add3A_103, %mul3A_104 : i32
          %get3A_106 = arith.index_cast %mul3A_105 : i32 to index
          %get3A_107 = tpu.vector_load %arg8[%get3A_106] {strides = array<i32>} : memref<4096xf32, #tpu.memory_space<vmem>>, vector<16xf32>,
          %get3A_108 = arith.index_cast %mul3A_105 : i32 to index
          %get3A_109 = tpu.vector_load %arg7[%get3A_108] {strides = array<i32>} : memref<4096xf32, #tpu.memory_space<vmem>>, vector<16xf32>,
          %mul3A_110 = vector.broadcast %mul3A_22 : f32 to vector<16xf32>
          %mul3A_111 = arith.mulf %mul3A_110, %get3A_109 : vector<16xf32>
          %add3A_112 = arith.addf %get3A_107, %mul3A_111 : vector<16xf32>
          %swap3A_113 = arith.index_cast %mul3A_105 : i32 to index
          %swap3A_114 = tpu.vector_load %arg8[%swap3A_113] {strides = array<i32>} : memref<4096xf32, #tpu.memory_space<vmem>>, vector<16xf32>,
          tpu.vector_store %arg8[%swap3A_113], %add3A_112 {strides = array<i32>} : memref<4096xf32, #tpu.memory_space<vmem>>, vector<16xf32>,
          %reduce_sum3A_115 = arith.constant true
          %reduce_sum3A_116 = vector.broadcast %reduce_sum3A_115 : i1 to vector<16xi1>
          %reduce_sum3A_117 = tpu.scan <sum>, %add3A_112 masked %reduce_sum3A_116 : vector<16xf32>, vector<16xi1> -> vector<16xf32>
          %reduce_sum3A_118 = vector.extract %reduce_sum3A_117[15] : f32 from vector<16xf32>
          %add3A_119 = arith.addf %add3A_99, %reduce_sum3A_118 : f32
          scf.yield %add3A_119 : f32
        }
        %scan3A_28 = arith.constant 64 : i32
        %mul3A_29 = arith.constant 2.44140625E-4 : f32
        %mul3A_30 = arith.mulf %scan3A_27, %mul3A_29 : f32
        %broadcast_in_dim3A = arith.constant 1.000000e+00 : f32
        %broadcast_in_dim3A_31 = vector.broadcast %broadcast_in_dim3A : f32 to vector<16xf32>
        %mul3A_32 = vector.broadcast %mul3A_30 : f32 to vector<16xf32>
        %mul3A_33 = arith.mulf %mul3A_32, %broadcast_in_dim3A_31 : vector<16xf32>
        %scan3A_34 = arith.constant 0 : i32
        %scan3A_35 = arith.constant 0 : i32
        %scan3A_36 = arith.constant 64 : i32
        %scan3A_37 = arith.addi %scan3A_35, %scan3A_36 : i32
        %scan3A_38 = arith.constant 1 : i32
        scf.for %scan3A_40 = %scan3A_35 to %scan3A_37 step %scan3A_38  : i32 {
          %mul3A_41 = arith.constant 4 : i32
          %mul3A_42 = arith.muli %scan3A_40, %mul3A_41 : i32
          %add3A_43 = arith.constant 0 : i32
          %add3A_44 = arith.addi %mul3A_42, %add3A_43 : i32
          %mul3A_45 = arith.constant 16 : i32
          %mul3A_46 = arith.muli %add3A_44, %mul3A_45 : i32
          %get3A_47 = arith.index_cast %mul3A_46 : i32 to index
          %get3A_48 = tpu.vector_load %arg8[%get3A_47] {strides = array<i32>} : memref<4096xf32, #tpu.memory_space<vmem>>, vector<16xf32>,
          %div3A = arith.divf %get3A_48, %mul3A_33 : vector<16xf32>
          %mul3A_49 = arith.constant 2.500000e+00 : f32
          %mul3A_50 = vector.broadcast %mul3A_49 : f32 to vector<16xf32>
          %mul3A_51 = arith.mulf %div3A, %mul3A_50 : vector<16xf32>
          %swap3A = arith.index_cast %mul3A_46 : i32 to index
          %swap3A_52 = tpu.vector_load %arg8[%swap3A] {strides = array<i32>} : memref<4096xf32, #tpu.memory_space<vmem>>, vector<16xf32>,
          tpu.vector_store %arg8[%swap3A], %mul3A_51 {strides = array<i32>} : memref<4096xf32, #tpu.memory_space<vmem>>, vector<16xf32>,
          %mul3A_53 = arith.constant 4 : i32
          %mul3A_54 = arith.muli %scan3A_40, %mul3A_53 : i32
          %add3A_55 = arith.constant 1 : i32
          %add3A_56 = arith.addi %mul3A_54, %add3A_55 : i32
          %mul3A_57 = arith.constant 16 : i32
          %mul3A_58 = arith.muli %add3A_56, %mul3A_57 : i32
          %get3A_59 = arith.index_cast %mul3A_58 : i32 to index
          %get3A_60 = tpu.vector_load %arg8[%get3A_59] {strides = array<i32>} : memref<4096xf32, #tpu.memory_space<vmem>>, vector<16xf32>,
          %div3A_61 = arith.divf %get3A_60, %mul3A_33 : vector<16xf32>
          %mul3A_62 = arith.constant 2.500000e+00 : f32
          %mul3A_63 = vector.broadcast %mul3A_62 : f32 to vector<16xf32>
          %mul3A_64 = arith.mulf %div3A_61, %mul3A_63 : vector<16xf32>
          %swap3A_65 = arith.index_cast %mul3A_58 : i32 to index
          %swap3A_66 = tpu.vector_load %arg8[%swap3A_65] {strides = array<i32>} : memref<4096xf32, #tpu.memory_space<vmem>>, vector<16xf32>,
          tpu.vector_store %arg8[%swap3A_65], %mul3A_64 {strides = array<i32>} : memref<4096xf32, #tpu.memory_space<vmem>>, vector<16xf32>,
          %mul3A_67 = arith.constant 4 : i32
          %mul3A_68 = arith.muli %scan3A_40, %mul3A_67 : i32
          %add3A_69 = arith.constant 2 : i32
          %add3A_70 = arith.addi %mul3A_68, %add3A_69 : i32
          %mul3A_71 = arith.constant 16 : i32
          %mul3A_72 = arith.muli %add3A_70, %mul3A_71 : i32
          %get3A_73 = arith.index_cast %mul3A_72 : i32 to index
          %get3A_74 = tpu.vector_load %arg8[%get3A_73] {strides = array<i32>} : memref<4096xf32, #tpu.memory_space<vmem>>, vector<16xf32>,
          %div3A_75 = arith.divf %get3A_74, %mul3A_33 : vector<16xf32>
          %mul3A_76 = arith.constant 2.500000e+00 : f32
          %mul3A_77 = vector.broadcast %mul3A_76 : f32 to vector<16xf32>
          %mul3A_78 = arith.mulf %div3A_75, %mul3A_77 : vector<16xf32>
          %swap3A_79 = arith.index_cast %mul3A_72 : i32 to index
          %swap3A_80 = tpu.vector_load %arg8[%swap3A_79] {strides = array<i32>} : memref<4096xf32, #tpu.memory_space<vmem>>, vector<16xf32>,
          tpu.vector_store %arg8[%swap3A_79], %mul3A_78 {strides = array<i32>} : memref<4096xf32, #tpu.memory_space<vmem>>, vector<16xf32>,
          %mul3A_81 = arith.constant 4 : i32
          %mul3A_82 = arith.muli %scan3A_40, %mul3A_81 : i32
          %add3A_83 = arith.constant 3 : i32
          %add3A_84 = arith.addi %mul3A_82, %add3A_83 : i32
          %mul3A_85 = arith.constant 16 : i32
          %mul3A_86 = arith.muli %add3A_84, %mul3A_85 : i32
          %get3A_87 = arith.index_cast %mul3A_86 : i32 to index
          %get3A_88 = tpu.vector_load %arg8[%get3A_87] {strides = array<i32>} : memref<4096xf32, #tpu.memory_space<vmem>>, vector<16xf32>,
          %div3A_89 = arith.divf %get3A_88, %mul3A_33 : vector<16xf32>
          %mul3A_90 = arith.constant 2.500000e+00 : f32
          %mul3A_91 = vector.broadcast %mul3A_90 : f32 to vector<16xf32>
          %mul3A_92 = arith.mulf %div3A_89, %mul3A_91 : vector<16xf32>
          %swap3A_93 = arith.index_cast %mul3A_86 : i32 to index
          %swap3A_94 = tpu.vector_load %arg8[%swap3A_93] {strides = array<i32>} : memref<4096xf32, #tpu.memory_space<vmem>>, vector<16xf32>,
          tpu.vector_store %arg8[%swap3A_93], %mul3A_92 {strides = array<i32>} : memref<4096xf32, #tpu.memory_space<vmem>>, vector<16xf32>,
        }
        %scan3A_39 = arith.constant 64 : i32
        "tpu.region"() ({
          %run_scoped3A = tpu.sem_alloc : memref<!tpu.dma_semaphore, #tpu.memory_space<semaphore_mem>>
          %dma_start3A = arith.constant 0 : i32
          %dma_start3A_40 = tpu.memref_slice %arg5[%reduce_max3A_16, %dma_start3A] : memref<1024x4096xf32, #tpu.memory_space<hbm>> -> memref<1x4096xf32, #tpu.memory_space<hbm>>
          %dma_start3A_41 = tpu.memref_squeeze %dma_start3A_40 : memref<1x4096xf32, #tpu.memory_space<hbm>> -> memref<4096xf32, #tpu.memory_space<hbm>>
          %dma_start3A_42 = arith.constant 0 : i32
          %dma_start3A_43 = tpu.memref_slice %arg5[%reduce_max3A_16, %dma_start3A_42] : memref<1024x4096xf32, #tpu.memory_space<hbm>> -> memref<1x4096xf32, #tpu.memory_space<hbm>>
          %dma_start3A_44 = tpu.memref_squeeze %dma_start3A_43 : memref<1x4096xf32, #tpu.memory_space<hbm>> -> memref<4096xf32, #tpu.memory_space<hbm>>
          tpu.enqueue_dma source(%arg8 : memref<4096xf32, #tpu.memory_space<vmem>>) target(%dma_start3A_44 : memref<4096xf32, #tpu.memory_space<hbm>>) target_semaphore(%run_scoped3A : memref<!tpu.dma_semaphore, #tpu.memory_space<semaphore_mem>>)
          %dma_wait3A = arith.constant 0 : i32
          %dma_wait3A_45 = tpu.memref_slice %arg5[%reduce_max3A_16, %dma_wait3A] : memref<1024x4096xf32, #tpu.memory_space<hbm>> -> memref<1x4096xf32, #tpu.memory_space<hbm>>
          %dma_wait3A_46 = tpu.memref_squeeze %dma_wait3A_45 : memref<1x4096xf32, #tpu.memory_space<hbm>> -> memref<4096xf32, #tpu.memory_space<hbm>>
          %dma_wait3A_47 = arith.constant 0 : i32
          %dma_wait3A_48 = tpu.memref_slice %arg5[%reduce_max3A_16, %dma_wait3A_47] : memref<1024x4096xf32, #tpu.memory_space<hbm>> -> memref<1x4096xf32, #tpu.memory_space<hbm>>
          %dma_wait3A_49 = tpu.memref_squeeze %dma_wait3A_48 : memref<1x4096xf32, #tpu.memory_space<hbm>> -> memref<4096xf32, #tpu.memory_space<hbm>>
          tpu.wait_dma2 semaphore(%run_scoped3A : memref<!tpu.dma_semaphore, #tpu.memory_space<semaphore_mem>>) src(%arg8 : memref<4096xf32, #tpu.memory_space<vmem>>) dst(%dma_wait3A_49 : memref<4096xf32, #tpu.memory_space<hbm>>)
          tpu.yield
        }) : () -> ()
      } else {
      }
    } else {
    }
    return
  }
}

module attributes {stable_mosaic.version = 14 : i64} {
  func.func @_mega(%arg0: i32, %arg1: memref<1x4096xf32, #tpu.memory_space<vmem>>, %arg2: memref<512x4096xf32, #tpu.memory_space<vmem>>, %arg3: memref<1x512xf32, #tpu.memory_space<vmem>>, %arg4: memref<256x4096xf32, #tpu.memory_space<vmem>>, %arg5: memref<1x1024xf32, #tpu.memory_space<vmem>>, %arg6: memref<1x512xf32, #tpu.memory_space<vmem>>, %arg7: memref<1x1024xf32, #tpu.memory_space<vmem>>, %arg8: memref<1024x4096xf32, #tpu.memory_space<any>>, %arg9: memref<1x1024xf32, #tpu.memory_space<vmem>>, %arg10: memref<1x128xf32, #tpu.memory_space<vmem>>, %arg11: memref<1x128xi32, #tpu.memory_space<vmem>>, %arg12: memref<1x4096xf32, #tpu.memory_space<vmem>>, %arg13: memref<!tpu.dma_semaphore, #tpu.memory_space<semaphore_mem>>) attributes {dimension_semantics = [#tpu.dimension_semantics<arbitrary>], iteration_bounds = array<i64: 13>, scalar_prefetch = 0 : i64, scratch_operands = 2 : i64, tpu.core_type = #tpu.core_type<tc>, window_params = [{pipeline_mode = #tpu.pipeline_mode<synchronous>, transform_indices = @transform_0, window_bounds = array<i64: 1, 4096>}, {transform_indices = @transform_1, window_bounds = array<i64: 512, 4096>}, {transform_indices = @transform_2, window_bounds = array<i64: 1, 512>}, {transform_indices = @transform_3, window_bounds = array<i64: 256, 4096>}, {pipeline_mode = #tpu.pipeline_mode<synchronous>, transform_indices = @transform_4, window_bounds = array<i64: 1, 1024>}, {transform_indices = @transform_5, window_bounds = array<i64: 1, 512>}, {pipeline_mode = #tpu.pipeline_mode<synchronous>, transform_indices = @transform_6, window_bounds = array<i64: 1, 1024>}, {}, {pipeline_mode = #tpu.pipeline_mode<synchronous>, transform_indices = @transform_8, window_bounds = array<i64: 1, 1024>}, {pipeline_mode = #tpu.pipeline_mode<synchronous>, transform_indices = @transform_9, window_bounds = array<i64: 1, 128>}, {pipeline_mode = #tpu.pipeline_mode<synchronous>, transform_indices = @transform_10, window_bounds = array<i64: 1, 128>}]} {
    %lt3A = arith.constant 8 : i32
    %lt3A_0 = arith.cmpi slt, %arg0, %lt3A : i32
    %convert_element_type3A = arith.extui %lt3A_0 : i1 to i32
    %cond3A = arith.constant 0 : i32
    %cond3A_1 = arith.cmpi ne, %convert_element_type3A, %cond3A : i32
    scf.if %cond3A_1 {
      %get3A = arith.constant 0 : index
      %get3A_12 = arith.constant 0 : index
      %get3A_13 = vector.load %arg1[%get3A, %get3A_12] : memref<1x4096xf32, #tpu.memory_space<vmem>>, vector<1x4096xf32>
      %get3A_14 = arith.constant 0 : index
      %get3A_15 = arith.constant 0 : index
      %get3A_16 = vector.load %arg2[%get3A_14, %get3A_15] : memref<512x4096xf32, #tpu.memory_space<vmem>>, vector<512x4096xf32>
      %dot_general3A = arith.constant dense<0.000000e+00> : vector<1x512xf32>
      %dot_general3A_17 = tpu.matmul %get3A_13, %get3A_16, %dot_general3A {dimension_numbers = #tpu.dot_dimension_numbers<[1], [1], [0], [0], [0, 0, 1, 0], [], []>, transpose_lhs_hint = false} : vector<1x4096xf32>, vector<512x4096xf32>, vector<1x512xf32> -> vector<1x512xf32>
      %get3A_18 = arith.constant 0 : index
      %get3A_19 = arith.constant 0 : index
      %get3A_20 = vector.load %arg3[%get3A_18, %get3A_19] : memref<1x512xf32, #tpu.memory_space<vmem>>, vector<1x512xf32>
      %gt3A = arith.cmpf ogt, %dot_general3A_17, %get3A_20 : vector<1x512xf32>
      %convert_element_type3A_21 = arith.extui %gt3A : vector<1x512xi1> to vector<1x512xi32>
      %convert_element_type3A_22 = arith.sitofp %convert_element_type3A_21 : vector<1x512xi32> to vector<1x512xf32>
      %swap3A = arith.constant 0 : index
      %swap3A_23 = arith.constant 0 : index
      %swap3A_24 = vector.load %arg6[%swap3A, %swap3A_23] : memref<1x512xf32, #tpu.memory_space<vmem>>, vector<1x512xf32>
      tpu.vector_store %arg6[%swap3A, %swap3A_23], %convert_element_type3A_22 {strides = array<i32>} : memref<1x512xf32, #tpu.memory_space<vmem>>, vector<1x512xf32>,
      %mul3A = arith.constant 512 : i32
      %mul3A_25 = arith.muli %arg0, %mul3A : i32
      %swap3A_26 = arith.constant 0 : index
      %swap3A_27 = arith.index_cast %mul3A_25 : i32 to index
      %swap3A_28 = vector.load %arg12[%swap3A_26, %swap3A_27] : memref<1x4096xf32, #tpu.memory_space<vmem>>, vector<1x512xf32>
      tpu.vector_store %arg12[%swap3A_26, %swap3A_27], %convert_element_type3A_22 {strides = array<i32>} : memref<1x4096xf32, #tpu.memory_space<vmem>>, vector<1x512xf32>,
    } else {
    }
    %ge3A = arith.constant 8 : i32
    %ge3A_2 = arith.cmpi sge, %arg0, %ge3A : i32
    %lt3A_3 = arith.constant 12 : i32
    %lt3A_4 = arith.cmpi slt, %arg0, %lt3A_3 : i32
    %and3A = arith.andi %ge3A_2, %lt3A_4 : i1
    %convert_element_type3A_5 = arith.extui %and3A : i1 to i32
    %cond3A_6 = arith.constant 0 : i32
    %cond3A_7 = arith.cmpi ne, %convert_element_type3A_5, %cond3A_6 : i32
    scf.if %cond3A_7 {
      %sub3A = arith.constant 8 : i32
      %sub3A_12 = arith.subi %arg0, %sub3A : i32
      %mul3A = arith.constant 256 : i32
      %mul3A_13 = arith.muli %sub3A_12, %mul3A : i32
      %dma_start3A = arith.constant 0 : i32
      %dma_start3A_14 = tpu.memref_slice %arg8[%mul3A_13, %dma_start3A] : memref<1024x4096xf32, #tpu.memory_space<any>> -> memref<256x4096xf32, #tpu.memory_space<any>>
      tpu.enqueue_dma source(%arg4 : memref<256x4096xf32, #tpu.memory_space<vmem>>) target(%dma_start3A_14 : memref<256x4096xf32, #tpu.memory_space<any>>) target_semaphore(%arg13 : memref<!tpu.dma_semaphore, #tpu.memory_space<semaphore_mem>>)
      %get3A = arith.constant 0 : index
      %get3A_15 = arith.constant 0 : index
      %get3A_16 = vector.load %arg12[%get3A, %get3A_15] : memref<1x4096xf32, #tpu.memory_space<vmem>>, vector<1x4096xf32>
      %get3A_17 = arith.constant 0 : index
      %get3A_18 = arith.constant 0 : index
      %get3A_19 = vector.load %arg4[%get3A_17, %get3A_18] : memref<256x4096xf32, #tpu.memory_space<vmem>>, vector<256x4096xf32>
      %dot_general3A = arith.constant dense<0.000000e+00> : vector<1x256xf32>
      %dot_general3A_20 = tpu.matmul %get3A_16, %get3A_19, %dot_general3A {dimension_numbers = #tpu.dot_dimension_numbers<[1], [1], [0], [0], [0, 0, 1, 0], [], []>, transpose_lhs_hint = false} : vector<1x4096xf32>, vector<256x4096xf32>, vector<1x256xf32> -> vector<1x256xf32>
      %max3A = arith.constant 0.000000e+00 : f32
      %max3A_21 = vector.broadcast %max3A : f32 to vector<1x256xf32>
      %max3A_22 = arith.maximumf %dot_general3A_20, %max3A_21 : vector<1x256xf32>
      %mul3A_23 = arith.constant 256 : i32
      %mul3A_24 = arith.muli %sub3A_12, %mul3A_23 : i32
      %swap3A = arith.constant 0 : index
      %swap3A_25 = arith.index_cast %mul3A_24 : i32 to index
      %swap3A_26 = vector.load %arg7[%swap3A, %swap3A_25] : memref<1x1024xf32, #tpu.memory_space<vmem>>, vector<1x256xf32>
      tpu.vector_store %arg7[%swap3A, %swap3A_25], %max3A_22 {strides = array<i32>} : memref<1x1024xf32, #tpu.memory_space<vmem>>, vector<1x256xf32>,
      %dma_wait3A = arith.constant 0 : i32
      %dma_wait3A_27 = tpu.memref_slice %arg8[%mul3A_13, %dma_wait3A] : memref<1024x4096xf32, #tpu.memory_space<any>> -> memref<256x4096xf32, #tpu.memory_space<any>>
      tpu.wait_dma2 semaphore(%arg13 : memref<!tpu.dma_semaphore, #tpu.memory_space<semaphore_mem>>) src(%arg4 : memref<256x4096xf32, #tpu.memory_space<vmem>>) dst(%dma_wait3A_27 : memref<256x4096xf32, #tpu.memory_space<any>>)
    } else {
    }
    %eq3A = arith.constant 12 : i32
    %eq3A_8 = arith.cmpi eq, %arg0, %eq3A : i32
    %convert_element_type3A_9 = arith.extui %eq3A_8 : i1 to i32
    %cond3A_10 = arith.constant 0 : i32
    %cond3A_11 = arith.cmpi ne, %convert_element_type3A_9, %cond3A_10 : i32
    scf.if %cond3A_11 {
      %get3A = arith.constant 0 : index
      %get3A_12 = arith.constant 0 : index
      %get3A_13 = vector.load %arg7[%get3A, %get3A_12] : memref<1x1024xf32, #tpu.memory_space<vmem>>, vector<1x1024xf32>
      %get3A_14 = arith.constant 0 : index
      %get3A_15 = arith.constant 0 : index
      %get3A_16 = vector.load %arg5[%get3A_14, %get3A_15] : memref<1x1024xf32, #tpu.memory_space<vmem>>, vector<1x1024xf32>
      %sub3A = arith.subf %get3A_13, %get3A_16 : vector<1x1024xf32>
      %max3A = arith.constant 0.000000e+00 : f32
      %max3A_17 = vector.broadcast %max3A : f32 to vector<1x1024xf32>
      %max3A_18 = arith.maximumf %sub3A, %max3A_17 : vector<1x1024xf32>
      %reduce_max3A = vector.shape_cast %max3A_18 : vector<1x1024xf32> to vector<1x1x1024xf32>
      %reduce_max3A_19 = arith.constant dense<0xFF800000> : vector<1xf32>
      %reduce_max3A_20 = vector.multi_reduction <maximumf>, %reduce_max3A, %reduce_max3A_19 [1, 2] : vector<1x1x1024xf32> to vector<1xf32>
      %reduce_max3A_21 = vector.shape_cast %reduce_max3A_20 : vector<1xf32> to vector<1x1x1xf32>
      %reduce_max3A_22 = vector.extract %reduce_max3A_21[0, 0, 0] : f32 from vector<1x1x1xf32>
      %iota3A = tpu.iota {dimensions = array<i32: 1>} : vector<1x1024xi32>
      %eq3A_23 = vector.broadcast %reduce_max3A_22 : f32 to vector<1x1024xf32>
      %eq3A_24 = arith.cmpf oeq, %max3A_18, %eq3A_23 : vector<1x1024xf32>
      %jit3A = arith.constant 1024 : i32
      %broadcast_in_dim3A = vector.broadcast %jit3A : i32 to vector<1x1024xi32>
      %select_n3A = arith.select %eq3A_24, %iota3A, %broadcast_in_dim3A : vector<1x1024xi1>, vector<1x1024xi32>
      %reduce_min3A = vector.shape_cast %select_n3A : vector<1x1024xi32> to vector<1x1x1024xi32>
      %reduce_min3A_25 = arith.constant dense<2147483647> : vector<1xi32>
      %reduce_min3A_26 = vector.multi_reduction <minsi>, %reduce_min3A, %reduce_min3A_25 [1, 2] : vector<1x1x1024xi32> to vector<1xi32>
      %reduce_min3A_27 = vector.shape_cast %reduce_min3A_26 : vector<1xi32> to vector<1x1x1xi32>
      %reduce_min3A_28 = vector.extract %reduce_min3A_27[0, 0, 0] : i32 from vector<1x1x1xi32>
      %get3A_29 = arith.constant 0 : index
      %get3A_30 = arith.constant 0 : index
      %get3A_31 = vector.load %arg5[%get3A_29, %get3A_30] : memref<1x1024xf32, #tpu.memory_space<vmem>>, vector<1x1024xf32>
      %eq3A_32 = vector.broadcast %reduce_min3A_28 : i32 to vector<1x1024xi32>
      %eq3A_33 = arith.cmpi eq, %iota3A, %eq3A_32 : vector<1x1024xi32>
      %mul3A = arith.constant 5.000000e-03 : f32
      %mul3A_34 = arith.mulf %mul3A, %reduce_max3A_22 : f32
      %jit3A_35 = arith.constant 0.000000e+00 : f32
      %broadcast_in_dim3A_36 = vector.broadcast %mul3A_34 : f32 to vector<1x1024xf32>
      %broadcast_in_dim3A_37 = vector.broadcast %jit3A_35 : f32 to vector<1x1024xf32>
      %select_n3A_38 = arith.select %eq3A_33, %broadcast_in_dim3A_36, %broadcast_in_dim3A_37 : vector<1x1024xi1>, vector<1x1024xf32>
      %add3A = arith.addf %get3A_31, %select_n3A_38 : vector<1x1024xf32>
      %swap3A = arith.constant 0 : index
      %swap3A_39 = arith.constant 0 : index
      %swap3A_40 = vector.load %arg9[%swap3A, %swap3A_39] : memref<1x1024xf32, #tpu.memory_space<vmem>>, vector<1x1024xf32>
      tpu.vector_store %arg9[%swap3A, %swap3A_39], %add3A {strides = array<i32>} : memref<1x1024xf32, #tpu.memory_space<vmem>>, vector<1x1024xf32>,
      %broadcast_in_dim3A_41 = vector.broadcast %reduce_max3A_22 : f32 to vector<1x128xf32>
      %swap3A_42 = arith.constant 0 : index
      %swap3A_43 = arith.constant 0 : index
      %swap3A_44 = vector.load %arg10[%swap3A_42, %swap3A_43] : memref<1x128xf32, #tpu.memory_space<vmem>>, vector<1x128xf32>
      tpu.vector_store %arg10[%swap3A_42, %swap3A_43], %broadcast_in_dim3A_41 {strides = array<i32>} : memref<1x128xf32, #tpu.memory_space<vmem>>, vector<1x128xf32>,
      %broadcast_in_dim3A_45 = vector.broadcast %reduce_min3A_28 : i32 to vector<1x128xi32>
      %swap3A_46 = arith.constant 0 : index
      %swap3A_47 = arith.constant 0 : index
      %swap3A_48 = vector.load %arg11[%swap3A_46, %swap3A_47] : memref<1x128xi32, #tpu.memory_space<vmem>>, vector<1x128xi32>
      tpu.vector_store %arg11[%swap3A_46, %swap3A_47], %broadcast_in_dim3A_45 {strides = array<i32>} : memref<1x128xi32, #tpu.memory_space<vmem>>, vector<1x128xi32>,
    } else {
    }
    return
  }
  func.func @transform_0(%arg0: i32) -> (i32, i32) {
    %c0_i32 = arith.constant 0 : i32
    %c0_i32_0 = arith.constant 0 : i32
    %c0_i32_1 = arith.constant 0 : i32
    return %c0_i32, %c0_i32_0 : i32, i32
  }
  func.func @transform_1(%arg0: i32) -> (i32, i32) {
    %min3A = arith.constant 7 : i32
    %min3A_0 = arith.minsi %arg0, %min3A : i32
    %c0_i32 = arith.constant 0 : i32
    %c0_i32_1 = arith.constant 0 : i32
    return %min3A_0, %c0_i32 : i32, i32
  }
  func.func @transform_2(%arg0: i32) -> (i32, i32) {
    %min3A = arith.constant 7 : i32
    %min3A_0 = arith.minsi %arg0, %min3A : i32
    %c0_i32 = arith.constant 0 : i32
    %c0_i32_1 = arith.constant 0 : i32
    return %c0_i32, %min3A_0 : i32, i32
  }
  func.func @transform_3(%arg0: i32) -> (i32, i32) {
    %sub3A = arith.constant 8 : i32
    %sub3A_0 = arith.subi %arg0, %sub3A : i32
    %jit3A = arith.constant 0 : i32
    %jit3A_1 = arith.constant 3 : i32
    %max3A = arith.maxsi %jit3A, %sub3A_0 : i32
    %min3A = arith.minsi %jit3A_1, %max3A : i32
    %c0_i32 = arith.constant 0 : i32
    %c0_i32_2 = arith.constant 0 : i32
    return %min3A, %c0_i32 : i32, i32
  }
  func.func @transform_4(%arg0: i32) -> (i32, i32) {
    %c0_i32 = arith.constant 0 : i32
    %c0_i32_0 = arith.constant 0 : i32
    %c0_i32_1 = arith.constant 0 : i32
    return %c0_i32, %c0_i32_0 : i32, i32
  }
  func.func @transform_5(%arg0: i32) -> (i32, i32) {
    %min3A = arith.constant 7 : i32
    %min3A_0 = arith.minsi %arg0, %min3A : i32
    %c0_i32 = arith.constant 0 : i32
    %c0_i32_1 = arith.constant 0 : i32
    return %c0_i32, %min3A_0 : i32, i32
  }
  func.func @transform_6(%arg0: i32) -> (i32, i32) {
    %c0_i32 = arith.constant 0 : i32
    %c0_i32_0 = arith.constant 0 : i32
    %c0_i32_1 = arith.constant 0 : i32
    return %c0_i32, %c0_i32_0 : i32, i32
  }
  func.func @transform_8(%arg0: i32) -> (i32, i32) {
    %c0_i32 = arith.constant 0 : i32
    %c0_i32_0 = arith.constant 0 : i32
    %c0_i32_1 = arith.constant 0 : i32
    return %c0_i32, %c0_i32_0 : i32, i32
  }
  func.func @transform_9(%arg0: i32) -> (i32, i32) {
    %c0_i32 = arith.constant 0 : i32
    %c0_i32_0 = arith.constant 0 : i32
    %c0_i32_1 = arith.constant 0 : i32
    return %c0_i32, %c0_i32_0 : i32, i32
  }
  func.func @transform_10(%arg0: i32) -> (i32, i32) {
    %c0_i32 = arith.constant 0 : i32
    %c0_i32_0 = arith.constant 0 : i32
    %c0_i32_1 = arith.constant 0 : i32
    return %c0_i32, %c0_i32_0 : i32, i32
  }
}

</mosaic_0001>

<sc_bundles>
// kernel: kernel.4.cloned.1.call-start
scs
__scs_entry_jumppad:
0x0: {  	(pc) =	sbr.rel $0x88, $3  }
0x1: {  	(tag) =	ssettag $0x0;
	lr =	simm.s32 $0x1  }
0x2: {  	[smem:$0x3F9C] =	sst lr;
	_ =	strace $0xD0000000  }
0x3: {  	_ = 	snop  }
0x4: {  	_ = 	snop  }
0x5: {  	_ = 	snop  }
0x6: {  	_ = 	snop  }
0x7: {  	_ = 	snop  }
__scs_overlays_trampoline_lowered:
0x8: {  	[smem:$0x3FAB] =	sst s0  }
0x9: {  	[smem:$0x3FAC] =	sst s1  }
0xa: {  	[smem:$0x3FAD] =	sst s2  }
0xb: {  	[smem:$0x3FAE] =	sst s3  }
0xc: {  	[smem:$0x3FAF] =	sst s4  }
0xd: {  	[smem:$0x3FB0] =	sst s5  }
0xe: {  	[smem:$0x3FB1] =	sst s6  }
0xf: {  	[smem:$0x3FB2] =	sst s7  }
0x10: {  	[smem:$0x3FB3] =	sst s8  }
0x11: {  	[smem:$0x3FB4] =	sst s9;
	s0 =	simm.s32 @!p0 $0x0  }
0x12: {  	s1 =	sld [smem:$0x3F9A];
	s0 =	simm.s32 @p0 $0x1  }
0x13: {  	[smem:$0x3FB5] =	sst s0;
	s0 =	simm.s32 @!p1 $0x0  }
0x14: {  	s2 =	sld [smem:$0x3F99];
	s0 =	simm.s32 @p1 $0x1  }
0x15: {  	[smem:$0x3FB6] =	sst s0;
	s0 =	simm.s32 @!p2 $0x0  }
0x16: {  	s3 =	sld [smem:$0x3FDB];
	s0 =	simm.s32 @p2 $0x1  }
0x17: {  	s4 =	simm.s32 $0x1BF5;
	[smem:$0x3FB8] =	sst s0  }
0x18: {  	s0 =	sld [smem:$0x3F9B];
	_ =	swait.ge [sflag:s4], $0x0  }
0x19: {  	s7 =	sld [smem:$0x3F9C]  }
0x1a: {  	s8 =	sadd.s32 $0xFFFFE003, lr  }
0x1b: {  	s9 =	sadd.s32 $0xFFFFFEF7, lr;
	s5 =	simm.s32 $0xFFFFFFFF;
	p2 =	slt.u32 s8, $0xFFFFF086  }
0x1c: {  	p1 =	slt.u32 s9, $0xF7A;
	s5 =	simm.s32 @!p2 $0x0  }
0x1d: {  	s5 =	simm.s32 @p1 $0x1;
	p0 =	seq.s32 s7, s2  }
0x1e: {  	s7 =	smul.u32 @!p0 $0xF7A, s2;
	p2 =	seq.s32 @!p0 s5, $0x0  }
0x1f: {  	s9 =	smul.u32 $0xF7A, s1;
	s8 =	simm.s32 @!p0 $0x1BF5;
	p2 =	por !p2, p0  }
0x20: {  	[sflag:s8] =	ssyncset.s32 @!p0 $0xFFFFF086;
	s6 =	sadd.s32 @!p0 s3, s7;
	s7 =	simm.s32 @!p0 $0x108  }
0x21: {  	s3 =	sadd.s32 s3, s9;
	s6 =	sadd.s32 @!p0 $0x88, s6;
	s7 =	simm.s32 @p2 $0x1082  }
0x22: {  	[simem:s7], [sflag:s8] =	dma.local @!p0 [hbm:s6], $0xF7A  }
0x23: {  	s9 =	sor.u32 $0xD0000000, s2;
	s6 =	simm.s32 $0x108;
	_ =	swait.ge @!p0 [sflag:s8], $0x0  }
0x24: {  	s3 =	sadd.s32 $0x88, s3;
	s6 =	simm.s32 @!p1 $0x1082;
	[sflag:s4] =	ssyncset.s32 $0xFFFFF086  }
0x25: {  	[simem:s6], [sflag:s4] =	dma.local [hbm:s3], $0xF7A  }
0x26: {  	[smem:$0x3F9C] =	sst s1;
	(tag) =	ssettag s2;
	_ =	strace s9  }
0x27: {  	s1 =	sld [smem:$0x3FAC]  }
0x28: {  	s2 =	sld [smem:$0x3FAD]  }
0x29: {  	s4 =	sld [smem:$0x3FAF]  }
0x2a: {  	p0 =	seq.s32 s5, $0x0;
	s5 =	sld [smem:$0x3FB0]  }
0x2b: {  	s6 =	sld [smem:$0x3FB1]  }
0x2c: {  	s7 =	sld [smem:$0x3FB2]  }
0x2d: {  	s3 =	simm.s32 $0x108;
	s8 =	sld [smem:$0x3FB3]  }
0x2e: {  	s3 =	simm.s32 @!p0 $0x1082;
	s9 =	sld [smem:$0x3FB4]  }
0x2f: {  	lr =	sadd.s32 s0, s3;
	s0 =	sld [smem:$0x3FAB]  }
0x30: {  	s3 =	sld [smem:$0x3FAE]  }
0x31: {  	[smem:$0x3FB7] =	sst s10  }
0x32: {  	s10 =	sld [smem:$0x3FB5];
	_ =	sdelay $0x3  }
0x33: {  	p0 =	seq.s32 s10, $0x1;
	s10 =	sld [smem:$0x3FB7];
	_ =	sdelay $0x3  }
0x34: {  	[smem:$0x3FB7] =	sst s10  }
0x35: {  	s10 =	sld [smem:$0x3FB6];
	_ =	sdelay $0x3  }
0x36: {  	p1 =	seq.s32 s10, $0x1;
	s10 =	sld [smem:$0x3FB7];
	_ =	sdelay $0x3  }
0x37: {  	[smem:$0x3FB7] =	sst s10  }
0x38: {  	s10 =	sld [smem:$0x3FB8]  }
0x39: {  	_ = 	snop;
	(pc) =	sbr.ind lr, $3  }
0x3a: {  	_ = 	snop  }
0x3b: {  	_ = 	snop  }
0x3c: {  	p2 =	seq.s32 s10, $0x1;
	s10 =	sld [smem:$0x3FB7]  }
0x3d: {  	_ =	shalt  }
0x3e: {  	_ =	shalt  }
0x3f: {  	_ =	shalt  }
0x40: {  	_ =	shalt  }
0x41: {  	_ =	shalt  }
0x42: {  	_ =	shalt  }
0x43: {  	_ =	shalt  }
0x44: {  	_ =	shalt  }
0x45: {  	_ =	shalt  }
0x46: {  	_ =	shalt  }
0x47: {  	_ =	shalt  }
0x48: {  	_ =	shalt  }
0x49: {  	_ =	shalt  }
0x4a: {  	_ =	shalt  }
0x4b: {  	_ =	shalt  }
0x4c: {  	_ =	shalt  }
0x4d: {  	_ =	shalt  }
0x4e: {  	_ =	shalt  }
0x4f: {  	_ =	shalt  }
0x50: {  	_ =	shalt  }
0x51: {  	_ =	shalt  }
0x52: {  	_ =	shalt  }
0x53: {  	_ =	shalt  }
0x54: {  	_ =	shalt  }
0x55: {  	_ =	shalt  }
0x56: {  	_ =	shalt  }
0x57: {  	_ =	shalt  }
0x58: {  	_ =	shalt  }
0x59: {  	_ =	shalt  }
0x5a: {  	_ =	shalt  }
0x5b: {  	_ =	shalt  }
0x5c: {  	_ =	shalt  }
0x5d: {  	_ =	shalt  }
0x5e: {  	_ =	shalt  }
0x5f: {  	_ =	shalt  }
0x60: {  	_ =	shalt  }
0x61: {  	_ =	shalt  }
0x62: {  	_ =	shalt  }
0x63: {  	_ =	shalt  }
0x64: {  	_ =	shalt  }
0x65: {  	_ =	shalt  }
0x66: {  	_ =	shalt  }
0x67: {  	_ =	shalt  }
0x68: {  	_ =	shalt  }
0x69: {  	_ =	shalt  }
0x6a: {  	_ =	shalt  }
0x6b: {  	_ =	shalt  }
0x6c: {  	_ =	shalt  }
0x6d: {  	_ =	shalt  }
0x6e: {  	_ =	shalt  }
0x6f: {  	_ =	shalt  }
0x70: {  	_ =	shalt  }
0x71: {  	_ =	shalt  }
0x72: {  	_ =	shalt  }
0x73: {  	_ =	shalt  }
0x74: {  	_ =	shalt  }
0x75: {  	_ =	shalt  }
0x76: {  	_ =	shalt  }
0x77: {  	_ =	shalt  }
0x78: {  	_ =	shalt  }
0x79: {  	_ =	shalt  }
0x7a: {  	_ =	shalt  }
0x7b: {  	_ =	shalt  }
0x7c: {  	_ =	shalt  }
0x7d: {  	_ =	shalt  }
0x7e: {  	_ =	shalt  }
0x7f: {  	_ =	shalt  }
0x80: {  	_ =	shalt  }
0x81: {  	_ =	shalt  }
0x82: {  	_ =	shalt  }
0x83: {  	_ =	shalt  }
0x84: {  	_ =	shalt  }
0x85: {  	_ =	shalt  }
0x86: {  	_ =	shalt  }
0x87: {  	_ =	shalt  }
.Lfunc_end0:
.L_simem_size_0:
called_computation_lowered:
.L_overlay_start_0:
0x88: {  	s0 =	sld [smem:$0x3FD9]  }
0x89: {  	s1 =	sld [smem:$0x3FFE];
	_ =	sdelay $0x3  }
0x8a: {  	s0 =	sadd.s32 s1, s0  }
0x8b: {  	[smem:$0x3FC3] =	sst s0  }
0x8c: {  	_ = 	snop  }
0x8d: {  	s0 =	sld [smem:$0x3FD0];
	_ =	sdelay $0x2  }
0x8e: {  	s13 =	simm.s32 $0xA;
	s2 =	simm.s32 $0x10  }
0x8f: {  	[smem:s2], [sflag:s13] =	dma.local [hbm:s0], $0x1  }
0x90: {  	_ =	swait.eq [sflag:s13], $0x1  }
0x91: {  	[sflag:s13] =	ssyncset.done $0x0  }
0x92: {  	s14 =	sld [smem:$0x10];
	[sflag:s13] =	ssyncadd.s32 $0xFFFFFFFF  }
0x93: {  	s15 =	sld [smem:$0x12];
	(tm) =	ssettm $0x1  }
0x94: {  	s16 =	sld [smem:$0x3FFB];
	_ =	sdelay $0x3  }
0x95: {  	_ =	strace s16  }
0x96: {  	s2 =	sld [smem:$0x3FFC];
	_ =	sdelay $0x3  }
0x97: {  	_ =	strace s2  }
0x98: {  	s2 =	sld [smem:$0x3FFD];
	_ =	sdelay $0x3  }
0x99: {  	_ =	strace s2  }
0x9a: {  	_ =	strace $0x8FFFFFFF  }
0x9b: {  	s17 =	sld [smem:$0x3FDB];
	_ =	sdelay $0x1  }
0x9c: {  	s3 =	simm.s32 $_scs_section_size  }
0x9d: {  	s4 =	simm.s32 $_size__tile_overlayer_lowered;
	s5 =	simm.s32 $_tile_overlayer_lowered  }
0x9e: {  	s20 =	simm.s32 $0x1BFF;
	s19 =	sshll.u32 s5, $0x1;
	s2 =	sadd.s32 s3, s17  }
0x9f: {  	s6 =	simm.s32 $0x0;
	s18 =	sshll.u32 s4, $0x1;
	s4 =	sadd.s32 s19, s2  }
0xa0: {  	[timem:s6], [sflag:s20] =	dma.local [hbm:s4], s18  }
0xa1: {  	_ =	swait.ge [sflag:s20], s18  }
0xa2: {  	s3 =	ssub.s32 $0x0, s18;
	[sflag:s20] =	ssyncset.done $0x0  }
0xa3: {  	[sflag:s20] =	ssyncadd.s32 s3;
	_ =	sdelay $0x1  }
0xa4: {  	s21 =	simm.s32 $0x1B8B  }
0xa5: {  	_ =	swait.ge [sflag:s21], $0x1  }
0xa6: {  	[sflag:s21] =	ssyncset.done $0x0  }
0xa7: {  	s23 =	simm.s32 $0x1B8E;
	s22 =	sld [smem:$0x3FFE];
	[sflag:s21] =	ssyncadd.s32 $0xFFFFFFFF  }
0xa8: {  	s24 =	simm.s32 $execute0_lowered;
	[smem:$0x3FD2] =	sst s23  }
0xa9: {  	s4 =	sshll.u32 s24, $0x1;
	_ =	strace $0x80000046;
	[dreg:$0x1] =	wrdreg $0xFFFFFFFF  }
0xaa: {  	s25 =	simm.s32 $_size_execute0_lowered;
	s2 =	sadd.s32 s2, s4;
	[dreg:$0x0] =	wrdreg $0x0  }
0xab: {  	s4 =	sshll.u32 s25, $0x1;
	[dreg:$0x2] =	wrdreg s2  }
0xac: {  	[dreg:$0x3] =	wrdreg s4  }
0xad: {  	[dreg:$0x4] =	wrdreg $0xC0  }
0xae: {  	_ =	task [dreg:s6], $0x5FFFF  }
0xaf: {  	[dreg:$0x1] =	wrdreg $0xFFFFFFFF  }
0xb0: {  	[dreg:$0x0] =	wrdreg $0x60  }
0xb1: {  	[dreg:$0x2] =	wrdreg s14  }
0xb2: {  	[dreg:$0x3] =	wrdreg s22  }
0xb3: {  	[dreg:$0x4] =	wrdreg s15  }
0xb4: {  	[dreg:$0x5] =	wrdreg $0x9  }
0xb5: {  	_ =	task.clear_ibuf [dreg:s6], $0x6FFFF;
	_ =	strace $0x90000046  }
0xb6: {  	s26 =	simm.s32 $0x9;
	_ =	strace $0x80000048  }
0xb7: {  	_ =	swait.ge [sflag:s26], $0x1  }
0xb8: {  	[sflag:s26] =	ssyncadd.s32 $0xFFFFFFFF  }
0xb9: {  	_ =	strace $0x90000048  }
0xba: {  	_ =	sfence  }
0xbb: {  	s28 =	sld [smem:$0x0];
	_ =	sdelay $0x1  }
0xbc: {  	s29 =	srdreg.scid  }
0xbd: {  	s30 =	sshll.u32 s29, $0xD;
	s31 =	sshrl.u32 s29, $0x2  }
0xbe: {  	s1 =	sand.u32 $0x1, s29;
	s2 =	sand.u32 $0x4000, s30;
	s0 =	sadd.s32 s31, s28  }
0xbf: {  	s1 =	sor.u32 s2, s1;
	s0 =	sshll.u32 s0, $0x11  }
0xc0: {  	s0 =	sor.u32 s0, s1  }
0xc1: {  	s0 =	sadd.s32 $0x8F2B, s0  }
0xc2: {  	[sflag:s0] =	ssyncadd.remote.s32 $0x1  }
0xc3: {  	_ =	sfence.sel $0xFFFF  }
0xc4: {  	[dreg:$0x0] =	wrdreg $0xFFFFFFFF;
	(pc) =	sbr.abs _section_cstart, $3  }
0xc5: {  	[dreg:$0x1] =	wrdreg $0xFFFFFFFF  }
0xc6: {  	_ =	task.clear_ibuf [dreg:s6], $0x2FFFF;
	_ =	strace $0x9FFFFFFF  }
0xc7: {  	(tm) =	ssettm $0x7FFFFFFF  }
tec
execute0_lowered:
.L_overlay_start_1:
0x0: {  	(tag) =	ssettag $0x1  }
0x1: {  	s3 =	rddreg [dreg:$0x0]  }
0x2: {  	s4 =	rddreg [dreg:$0x1]  }
0x3: {  	s1 =	rddreg [dreg:$0x2];
	s5 =	simm.s32 $0x0  }
0x4: {  	s2 =	stileid.u32;
	[smem:$0x7FF] =	sst s5  }
0x5: {  	s0 =	rddreg [dreg:$0x3];
	p0 =	sne.s32 s2, $0x0;
	_ =	strace $0x80000047  }
0x6: {  	_ =	sfence.sel @p0 $0x180000  }
0x7: {  	[bflag:$0x0] =	sbarrier.arrive @p0 $0xFFFF  }
0x8: {  	_ =	strace @p0 $0x90000047  }
0x9: {  	[bflag:$0x2] =	sbarrier.arrive @p0 $0xFFFF  }
0xa: {  	_ =	shalt @p0  }
.LBB2_1:
0xb: {  	s2 =	sadd.s32 $0x1200, s4;
	s6 =	simm.s32 $0x2000  }
0xc: {  	[tilespmem:s6], [sflag:$0x1] =	stream.linear.gather [hbm4b:s2+s5], $0x80, $0x38;
	[tilespmem:$0x2100] =	vst v63  }
0xd: {  	s2 =	simm.s32 $0x1  }
0xe: {  	_ =	swait.ge [sflag:s2], $0x80  }
0xf: {  	[sflag:s2] =	ssyncset.done $0x0  }
0x10: {  	s30 =	sadd.s32 $0x1400, s4;
	s31 =	simm.s32 $0x2080;
	[sflag:s2] =	ssyncadd.s32 $0xFFFFFF80  }
0x11: {  	[tilespmem:s31], [sflag:$0x1] =	stream.linear.gather [hbm4b:s30+s5], $0x80, $0x38;
	[tilespmem:$0x2100] =	vst v63  }
0x12: {  	_ =	swait.ge [sflag:s2], $0x80  }
0x13: {  	[sflag:s2] =	ssyncset.done $0x0  }
0x14: {  	[sflag:s2] =	ssyncadd.s32 $0xFFFFFF80  }
0x15: {  	v0 =	vld [tilespmem:$0x2000];
	_ =	sdelay $0x4  }
0x16: {  	(xrf0) =	vmax.scan.msk.f32 $0xffff, v0;
	_ =	sdelay $0x5  }
0x17: {  	v0, _, _ =	vpop (xrf0)  }
0x18: {  	(v2sf) =	vpush v0, $0xF;
	_ =	sdelay $0xe  }
0x19: {  	s4 =	spop (v2sf)  }
0x1a: {  	p0 =	sgt.f32 s4, $0.0e+00  }
.Ltmp0:
0x1b: {  	_ = 	snop;
	(pc) =	sbr.rel @!p0 .LBB2_7-.Ltmp0, $1  }
0x1c: {  	_ =	sdelay $0x3  }
0x1d: {  	v0 =	vld [tilespmem:$0x2080];
	_ =	sdelay $0x2  }
0x1e: {  	s5 =	simm.s32 $0x0  }
0x1f: {  	[tilespmem:s5], [sflag:$0x1] =	stream.linear.gather [hbm4b:s3+s5], $0x1000, $0x38;
	[tilespmem:$0x2100] =	vst v63  }
0x20: {  	_ =	swait.ge [sflag:s2], $0x1000;
	v0 =	vxor.u32 $0x80000000, v0  }
0x21: {  	(xrf0) =	vmax.scan.msk.u32 $0xffff, v0;
	_ =	sdelay $0x5  }
0x22: {  	v0, _, _ =	vpop (xrf0)  }
0x23: {  	(v2sf) =	vpush v0, $0xF;
	_ =	sdelay $0xe  }
0x24: {  	s21 =	spop (v2sf)  }
0x25: {  	s22 =	sshll.u32 s21, $0xC;
	s3 =	sshll.u32 s21, $0x7  }
0x26: {  	s5 =	sand.u32 $0xFFFF8000, s22;
	s3 =	sand.u32 $0x380, s3  }
0x27: {  	s23 =	simm.s32 $0x80;
	s3 =	sor.u32 s3, s5  }
0x28: {  	s24 =	simm.s32 $0x400;
	[sflag:s2] =	ssyncset.done $0x0;
	s3 =	sshrl.u32 s3, $0x3  }
0x29: {  	s6 =	simm.s32 $0x1000;
	[sflag:s2] =	ssyncadd.s32 $0xFFFFF000;
	s1 =	sadd.s32 s1, s3  }
0x2a: {  	[tilespmem:s6], [sflag:$0x1] =	stream.strided.gather [hbm4b:s1+s23], $0x1000, s24, s23, $0x38;
	[tilespmem:$0x2100] =	vst v63  }
0x2b: {  	_ =	swait.ge [sflag:s2], $0x1000  }
0x2c: {  	[sflag:s2] =	ssyncset.done $0x0  }
0x2d: {  	s25 =	simm.s32 $0x0;
	[sflag:s2] =	ssyncadd.s32 $0xFFFFF000  }
0x2e: {  	v1 =	vld [tilespmem:s25+$0x0]  }
0x2f: {  	v2 =	vld [tilespmem:s25+$0x10]  }
0x30: {  	v3 =	vld [tilespmem:s25+$0x1000]  }
0x31: {  	s26 =	smul.f32 $1.000000010e-01, s4;
	v4 =	vld [tilespmem:s25+$0x20]  }
0x32: {  	v5 =	vld [tilespmem:s25+$0x1010]  }
0x33: {  	v0 =	vmov s26;
	v6 =	vld [tilespmem:s25+$0x1020]  }
0x34: {  	v7 =	vld [tilespmem:s25+$0x30];
	v1 =	vmul.f32 v1, v0  }
0x35: {  	v2 =	vmul.f32 v2, v0  }
0x36: {  	v1 =	vadd.f32 v1, v3;
	v3 =	vmul.f32 v4, v0;
	v4 =	vld [tilespmem:s25+$0x1030]  }
0x37: {  	v2 =	vadd.f32 v2, v5  }
0x38: {  	[tilespmem:s25+$0x1000] =	vst v1;
	v3 =	vadd.f32 v3, v6  }
0x39: {  	s28 =	simm.s32 $0x40;
	[tilespmem:s25+$0x1010] =	vst v2;
	v6 =	vmul.f32 v7, v0  }
0x3a: {  	v5 =	vld [tilespmem:s28+$0x0];
	[tilespmem:s25+$0x1020] =	vst v3  }
0x3b: {  	v7 =	vld [tilespmem:s28+$0x10];
	v4 =	vadd.f32 v6, v4  }
0x3c: {  	v6 =	vld [tilespmem:s28+$0x1000]  }
0x3d: {  	(xrf2) =	vadd.scan.msk.f32 $0xffff, v1;
	v8 =	vld [tilespmem:s28+$0x20];
	[tilespmem:s25+$0x1030] =	vst v4  }
0x3e: {  	v9 =	vld [tilespmem:s28+$0x1010]  }
0x3f: {  	(xrf2) =	vadd.scan.msk.f32 $0xffff, v3;
	v3 =	vld [tilespmem:s28+$0x1020]  }
0x40: {  	(xrf2) =	vadd.scan.msk.f32 $0xffff, v2;
	v1 =	vmul.f32 v5, v0;
	v5 =	vld [tilespmem:s28+$0x30]  }
0x41: {  	v2 =	vmul.f32 v7, v0  }
0x42: {  	v1 =	vadd.f32 v1, v6;
	v6 =	vmul.f32 v8, v0;
	v7 =	vld [tilespmem:s28+$0x1030]  }
0x43: {  	v2 =	vadd.f32 v2, v9  }
0x44: {  	[tilespmem:s28+$0x1000] =	vst v1;
	v3 =	vadd.f32 v6, v3  }
0x45: {  	s29 =	simm.s32 $0x80;
	v5 =	vmul.f32 v5, v0;
	[tilespmem:s28+$0x1010] =	vst v2  }
0x46: {  	v6 =	vld [tilespmem:s29+$0x0];
	[tilespmem:s28+$0x1020] =	vst v3  }
0x47: {  	v61, _, _ =	vpop (xrf2);
	(xrf2) =	vadd.scan.msk.f32 $0xffff, v4;
	v5 =	vadd.f32 v5, v7;
	v7 =	vld [tilespmem:s29+$0x1000]  }
0x48: {  	v11 =	vld [tilespmem:s29+$0x20]  }
0x49: {  	v10, _, _ =	vpop (xrf2);
	(xrf2) =	vadd.scan.msk.f32 $0xffff, v1  }
0x4a: {  	v4, _, _ =	vpop (xrf2);
	(xrf2) =	vadd.scan.msk.f32 $0xffff, v3  }
0x4b: {  	(v2sf) =	vpush v61, $0xF;
	(xrf2) =	vadd.scan.msk.f32 $0xffff, v2;
	v8 =	vld [tilespmem:s29+$0x10];
	[tilespmem:s28+$0x1030] =	vst v5;
	v2 =	vmul.f32 v6, v0  }
0x4c: {  	v3 =	vld [tilespmem:s29+$0x1020]  }
0x4d: {  	(xrf2) =	vadd.scan.msk.f32 $0xffff, v5;
	v5 =	vadd.f32 v2, v7;
	v2 =	vmul.f32 v11, v0  }
0x4e: {  	(v2sf) =	vpush v4, $0xF;
	v1 =	vld [tilespmem:s29+$0x1010]  }
0x4f: {  	v6 =	vld [tilespmem:s29+$0x30]  }
0x50: {  	(v2sf) =	vpush v10, $0xF  }
0x51: {  	v4 =	vmul.f32 v8, v0;
	v8 =	vadd.f32 v2, v3;
	v2, _, _ =	vpop (xrf2)  }
0x52: {  	(v2sf) =	vpush v2, $0xF;
	_ =	sdelay $0x1  }
0x53: {  	v7 =	vadd.f32 v4, v1;
	v4 =	vld [tilespmem:s29+$0x1030];
	v3 =	vmul.f32 v6, v0;
	v6, _, _ =	vpop (xrf2)  }
0x54: {  	(v2sf) =	vpush v6, $0xF  }
0x55: {  	[tilespmem:s29+$0x1000] =	vst v5;
	(xrf2) =	vadd.scan.msk.f32 $0xffff, v5  }
0x56: {  	s2 =	simm.s32 $0xC0;
	[tilespmem:s29+$0x1010] =	vst v7;
	v63, _, _ =	vpop (xrf2)  }
0x57: {  	v62 =	vld [tilespmem:s2+$0x0];
	[tilespmem:s29+$0x1020] =	vst v8;
	v6, _, _ =	vpop (xrf2)  }
0x58: {  	v1 =	vld [tilespmem:s2+$0x10];
	v3 =	vadd.f32 v3, v4;
	(xrf2) =	vadd.scan.msk.f32 $0xffff, v8;
	(v2sf) =	vpush v6, $0xF  }
0x59: {  	v2 =	vld [tilespmem:s2+$0x1000];
	s31 =	spop (v2sf);
	v8, _, _ =	vpop (xrf2);
	(v2sf) =	vpush v63, $0xF  }
0x5a: {  	s30 =	simm.f32 $0.0e+00;
	v4 =	vld [tilespmem:s2+$0x20];
	[tilespmem:s29+$0x1030] =	vst v3;
	(v2sf) =	vpush v8, $0xF  }
0x5b: {  	s3 =	sadd.f32 s31, s30;
	(xrf2) =	vadd.scan.msk.f32 $0xffff, v7;
	v5 =	vld [tilespmem:s2+$0x1010]  }
0x5c: {  	s5 =	simm.s32 $0x400;
	s4 =	spop (v2sf);
	v7 =	vmul.f32 v62, v0;
	v6 =	vld [tilespmem:s2+$0x1020]  }
.LBB2_3:
0x5d: {  	s3 =	sadd.f32 s4, s3  }
0x5e: {  	v8 =	vld [tilespmem:s2+$0x30];
	(xrf2) =	vadd.scan.msk.f32 $0xffff, v3;
	s4 =	spop (v2sf);
	s6 =	smov.u32 s5;
	s7 =	sadd.s32 $0x100, s5  }
0x5f: {  	p0 =	sne.s32 s5, $0x3F00;
	v1 =	vmul.f32 v1, v0;
	v2 =	vadd.f32 v7, v2;
	v3, _, _ =	vpop (xrf2)  }
0x60: {  	v4 =	vmul.f32 v4, v0;
	v7 =	vld [tilespmem:s2+$0x1030];
	(v2sf) =	vpush v3, $0xF;
	s3 =	sadd.f32 s4, s3;
	s4 =	spop (v2sf)  }
0x61: {  	[tilespmem:s2+$0x1000] =	vst v2;
	v5 =	vadd.f32 v1, v5;
	(xrf2) =	vadd.scan.msk.f32 $0xffff, v2  }
0x62: {  	v1 =	vadd.f32 v4, v6;
	v6, _, _ =	vpop (xrf2);
	s3 =	sadd.f32 s4, s3  }
0x63: {  	s4 =	sshra.s32 s6, $0x2;
	[tilespmem:s2+$0x1010] =	vst v5;
	v2 =	vmul.f32 v8, v0;
	s5 =	spop (v2sf)  }
0x64: {  	v8 =	vld [tilespmem:s4+$0x0];
	[tilespmem:s2+$0x1020] =	vst v1;
	(xrf2) =	vadd.scan.msk.f32 $0xffff, v1  }
.Ltmp1:
0x65: {  	v1 =	vld [tilespmem:s4+$0x10];
	v3 =	vadd.f32 v2, v7;
	v4, _, _ =	vpop (xrf2);
	(pc) =	sbr.rel @p0 .LBB2_3-.Ltmp1, $4  }
0x66: {  	v2 =	vld [tilespmem:s4+$0x1000];
	(v2sf) =	vpush v4, $0xF  }
0x67: {  	s3 =	sadd.f32 s5, s3;
	v4 =	vld [tilespmem:s4+$0x20];
	[tilespmem:s2+$0x1030] =	vst v3;
	(xrf2) =	vadd.scan.msk.f32 $0xffff, v5;
	(v2sf) =	vpush v6, $0xF;
	s2 =	smov.u32 s4  }
0x68: {  	v5 =	vld [tilespmem:s2+$0x1010];
	v9, _, _ =	vpop (xrf2)  }
0x69: {  	s5 =	smov.u32 s7;
	v7 =	vmul.f32 v8, v0;
	v6 =	vld [tilespmem:s2+$0x1020];
	(v2sf) =	vpush v9, $0xF;
	s4 =	spop (v2sf)  }
0x6a: {  	_ =	sdelay $0x1  }
0x6b: {  	v8 =	vld [tilespmem:s2+$0x30];
	v4 =	vmul.f32 v4, v0  }
0x6c: {  	(xrf2) =	vadd.scan.msk.f32 $0xffff, v3;
	v1 =	vmul.f32 v1, v0;
	v2 =	vadd.f32 v7, v2  }
0x6d: {  	v3 =	vld [tilespmem:s2+$0x1030];
	v4 =	vadd.f32 v4, v6  }
0x6e: {  	v1 =	vadd.f32 v1, v5;
	(xrf2) =	vadd.scan.msk.f32 $0xffff, v2  }
0x6f: {  	(xrf2) =	vadd.scan.msk.f32 $0xffff, v4  }
0x70: {  	v5, _, _ =	vpop (xrf2);
	v0 =	vmul.f32 v8, v0;
	(xrf2) =	vadd.scan.msk.f32 $0xffff, v1  }
0x71: {  	v63, _, _ =	vpop (xrf2);
	(v2sf) =	vpush v5, $0xF  }
0x72: {  	v0 =	vadd.f32 v0, v3;
	v3, _, _ =	vpop (xrf2)  }
0x73: {  	s3 =	sadd.f32 s4, s3;
	(v2sf) =	vpush v3, $0xF  }
0x74: {  	s17 =	spop (v2sf);
	(xrf2) =	vadd.scan.msk.f32 $0xffff, v0  }
0x75: {  	s3 =	sadd.f32 s17, s3;
	(v2sf) =	vpush v63, $0xF  }
0x76: {  	s18 =	spop (v2sf);
	v3, _, _ =	vpop (xrf2)  }
0x77: {  	s3 =	sadd.f32 s18, s3;
	(v2sf) =	vpush v3, $0xF  }
0x78: {  	s19 =	spop (v2sf);
	v3, _, _ =	vpop (xrf2)  }
0x79: {  	s3 =	sadd.f32 s19, s3;
	(v2sf) =	vpush v3, $0xF;
	v3, _, _ =	vpop (xrf2)  }
0x7a: {  	s20 =	spop (v2sf);
	v5, _, _ =	vpop (xrf2)  }
0x7b: {  	s3 =	sadd.f32 s20, s3;
	(v2sf) =	vpush v5, $0xF  }
0x7c: {  	s21 =	spop (v2sf)  }
0x7d: {  	s3 =	sadd.f32 s21, s3;
	(v2sf) =	vpush v3, $0xF  }
0x7e: {  	s22 =	spop (v2sf);
	v3, _, _ =	vpop (xrf2)  }
0x7f: {  	s3 =	sadd.f32 s22, s3;
	(v2sf) =	vpush v3, $0xF  }
0x80: {  	s23 =	spop (v2sf)  }
0x81: {  	s3 =	sadd.f32 s23, s3  }
0x82: {  	s24 =	spop (v2sf)  }
0x83: {  	s3 =	sadd.f32 s24, s3  }
0x84: {  	s25 =	spop (v2sf)  }
0x85: {  	s3 =	sadd.f32 s25, s3  }
0x86: {  	s26 =	spop (v2sf)  }
0x87: {  	s3 =	sadd.f32 s26, s3  }
0x88: {  	s28 =	spop (v2sf)  }
0x89: {  	s3 =	sadd.f32 s28, s3  }
0x8a: {  	s29 =	spop (v2sf)  }
0x8b: {  	s3 =	sadd.f32 s29, s3  }
0x8c: {  	s30 =	spop (v2sf)  }
0x8d: {  	s3 =	sadd.f32 s30, s3  }
0x8e: {  	s31 =	spop (v2sf)  }
0x8f: {  	s3 =	sadd.f32 s31, s3;
	_ =	sdelay $0x1  }
0x90: {  	s3 =	smul.f32 $2.441406250e-04, s3;
	_ =	sdelay $0x1  }
0x91: {  	v3 =	vmov s3  }
0x92: {  	(erf) = vrcp.f32 v3;
	_ =	sdelay $0x2  }
0x93: {  	[tilespmem:s2+$0x1000] =	vst v2  }
0x94: {  	[tilespmem:s2+$0x1010] =	vst v1  }
0x95: {  	[tilespmem:s2+$0x1020] =	vst v4  }
0x96: {  	[tilespmem:s2+$0x1030] =	vst v0;
	s2 =	simm.s32 $0x0  }
0x97: {  	v1 =	vld [tilespmem:s2+$0x1000]  }
0x98: {  	v2 =	vld [tilespmem:s2+$0x1010]  }
0x99: {  	s3 =	simm.s32 $0x100;
	v3 =	vld [tilespmem:s2+$0x1020];
	v0 =	vpop (erf)  }
.LBB2_5:
0x9a: {  	p0 =	sne.s32 s3, $0x3F00;
	v4 =	vld [tilespmem:s2+$0x1030];
	_ =	sdelay $0x1  }
0x9b: {  	v1 =	vmul.f32 v1, v0  }
0x9c: {  	v2 =	vmul.f32 v2, v0  }
0x9d: {  	v1 =	vmul.f32 $2.500000000e+00, v1;
	v3 =	vmul.f32 v3, v0  }
.Ltmp2:
0x9e: {  	v2 =	vmul.f32 $2.500000000e+00, v2;
	v4 =	vmul.f32 v4, v0;
	(pc) =	sbr.rel @p0 .LBB2_5-.Ltmp2, $4  }
0x9f: {  	s4 =	sshra.s32 s3, $0x2;
	[tilespmem:s2+$0x1000] =	vst v1;
	v3 =	vmul.f32 $2.500000000e+00, v3  }
0xa0: {  	v1 =	vld [tilespmem:s4+$0x1000];
	[tilespmem:s2+$0x1010] =	vst v2;
	v4 =	vmul.f32 $2.500000000e+00, v4  }
0xa1: {  	v2 =	vld [tilespmem:s4+$0x1010];
	[tilespmem:s2+$0x1020] =	vst v3  }
0xa2: {  	s3 =	sadd.s32 $0x100, s3;
	v3 =	vld [tilespmem:s4+$0x1020];
	[tilespmem:s2+$0x1030] =	vst v4;
	s2 =	smov.u32 s4  }
0xa3: {  	v4 =	vld [tilespmem:s2+$0x1030];
	_ =	sdelay $0x1  }
0xa4: {  	v1 =	vmul.f32 v1, v0  }
0xa5: {  	v2 =	vmul.f32 v2, v0  }
0xa6: {  	v1 =	vmul.f32 $2.500000000e+00, v1;
	v3 =	vmul.f32 v3, v0  }
0xa7: {  	v2 =	vmul.f32 $2.500000000e+00, v2;
	v62 =	vmul.f32 v4, v0  }
0xa8: {  	[tilespmem:s2+$0x1000] =	vst v1;
	v63 =	vmul.f32 $2.500000000e+00, v3  }
0xa9: {  	[tilespmem:s2+$0x1010] =	vst v2;
	v0 =	vmul.f32 $2.500000000e+00, v62  }
0xaa: {  	s30 =	simm.s32 $0x80;
	[tilespmem:s2+$0x1020] =	vst v63  }
0xab: {  	s3 =	simm.s32 $0x400;
	s4 =	simm.s32 $0x1000;
	s31 =	simm.s32 $0x1;
	[tilespmem:s2+$0x1030] =	vst v0  }
0xac: {  	[hbm4b:s1+s30] =	stream.strided.scatter [tilespmem:s4], [sflag:$0x1], $0x1000, s3, s30, $0x38;
	[tilespmem:$0x2100] =	vst v63  }
0xad: {  	_ =	swait.ge [sflag:s31], $0x1000  }
0xae: {  	[sflag:s31] =	ssyncset.done $0x0  }
0xaf: {  	[sflag:s31] =	ssyncadd.s32 $0xFFFFF000  }
.LBB2_7:
0xb0: {  	_ =	sfence.sel $0x180000  }
0xb1: {  	[bflag:$0x0] =	sbarrier.arrive $0xFFFF  }
0xb2: {  	_ =	strace $0x90000047  }
0xb3: {  	s0 =	sadd.s32 $0x100000, s0;
	[bflag:$0x2] =	sbarrier.arrive $0xFFFF  }
0xb4: {  	[sflag:s0] =	ssyncadd.tile.s32 $0x1;
	_ =	shalt  }
.Lfunc_end2:
_tile_overlayer_lowered:
.L_overlay_start_2:
0xb5: {  	(tag) =	ssettag $0x2  }
0xb6: {  	s0 =	rddreg [dreg:$0x0];
	s2 =	stileid.u32  }
0xb7: {  	s1 =	rddreg [dreg:$0x1];
	p0 =	sne.s32 s2, $0x0  }
0xb8: {  	s3 =	rddreg [dreg:$0x2];
	[bflag:$0x3] =	sbarrier.arrive $0xFFFF;
	s2 =	simm.s32 @!p0 $0x1C01  }
0xb9: {  	[timem:s3], [sflag:s2] =	dma.local @!p0 [hbm:s0], s1  }
0xba: {  	s0 =	simm.s32 @!p0 $0x1  }
0xbb: {  	_ =	swait.ge @!p0 [sflag:s0], s1  }
0xbc: {  	s1 =	ssub.s32 @!p0 $0x0, s1;
	[sflag:s0] =	ssyncset.done @!p0 $0x0  }
0xbd: {  	[sflag:s0] =	ssyncadd.s32 @!p0 s1  }
0xbe: {  	[bflag:$0x3] =	sbarrier.arrive $0xFFFF  }
0xbf: {  	_ =	shalt  }

</sc_bundles>
